<compile_context>
chip_gen: v7x
topology: tpu7x:2x2x1
jax: 0.10.2.dev20260603
libtpu: 0.0.44.dev20260713+nightly
codegen_flags: <defaults>
</compile_context>

<pallas_src>
import jax
import jax.numpy as jnp
from jax.experimental import pallas as pl

N_SWARM = 64
K_ACTIVE = 8
N_BASIS = 256
BLOCK_T = 4096
GAP_THRESH = 2.5e-4
EXACT_CAP = 4096

_SIN_Q = (0.1013211831053168, -0.006620879676771933, 0.00017350554234663357,
          -2.522503655172663e-06, 2.3349986675745213e-08,
          -1.3452499184052336e-10)
_TP_HI = 6.28125
_TP_LO = 0.0019353071693331003
_INV_2PI = 0.15915493667125702
_PISQ = 9.869604401089358


def _poly_body(x_ref, f2_ref, p2_ref, amps_ref, biases_ref, gw_ref,
               fs_ref, fb_ref, out_ref, flag_ref):
    xb = x_ref[...]
    a = f2_ref[...] * xb + p2_ref[...]
    m = jnp.round(a * jnp.float32(_INV_2PI))
    th = (a - m * jnp.float32(_TP_HI)) - m * jnp.float32(_TP_LO)
    t = th * th
    q = jnp.float32(_SIN_Q[5])
    for c in _SIN_Q[4::-1]:
        q = q * t + jnp.float32(c)
    basis = (th * (jnp.float32(_PISQ) - t)) * q

    basis_sum = jnp.sum(basis, axis=0, keepdims=True)
    logits = jnp.dot(gw_ref[...], basis,
                     preferred_element_type=jnp.float32)

    m1 = jnp.max(logits, axis=0, keepdims=True)
    L = logits
    m = m1
    for _ in range(K_ACTIVE - 1):
        L = jnp.where(L == m, -jnp.inf, L)
        m = jnp.max(L, axis=0, keepdims=True)
    L = jnp.where(L == m, -jnp.inf, L)
    m9 = jnp.max(L, axis=0, keepdims=True)
    sel = (logits >= m)
    n_sel = jnp.sum(sel.astype(jnp.float32), axis=0, keepdims=True)
    needs_exact = jnp.logical_or(m - m9 < GAP_THRESH,
                                 n_sel != jnp.float32(K_ACTIVE))
    flag_ref[...] = needs_exact.astype(jnp.float32)

    w = jnp.where(sel, jnp.exp(logits - m1), 0.0)
    sum_w = jnp.sum(w, axis=0, keepdims=True)
    sum_wa = jnp.sum(w * amps_ref[...], axis=0, keepdims=True)
    sum_wb = jnp.sum(w * biases_ref[...], axis=0, keepdims=True)
    out = (basis_sum * sum_wa + sum_wb) / sum_w
    out_ref[...] = fs_ref[0, 0] * out + fb_ref[0, 0]


def _exact_body(x_ref, f_ref, p_ref, amps_ref, biases_ref, gw_ref,
                fs_ref, fb_ref, out_ref):
    xb = x_ref[...]
    basis = jnp.sin(f_ref[...] * xb + p_ref[...])
    basis_sum = jnp.sum(basis, axis=0, keepdims=True)
    logits = jnp.dot(gw_ref[...], basis,
                     preferred_element_type=jnp.float32)

    expert = jax.lax.broadcasted_iota(jnp.int32, logits.shape, 0)
    m1 = jnp.max(logits, axis=0, keepdims=True)
    L = logits
    mask = jnp.zeros(logits.shape, dtype=jnp.bool_)
    m = m1
    for k in range(K_ACTIVE):
        m = m1 if k == 0 else jnp.max(L, axis=0, keepdims=True)
        sel = jnp.min(jnp.where(L == m, expert, N_SWARM),
                      axis=0, keepdims=True)
        onehot = expert == sel
        mask = jnp.logical_or(mask, onehot)
        L = jnp.where(onehot, -jnp.inf, L)

    w = jnp.where(mask, jnp.exp(logits - m1), 0.0)
    sum_w = jnp.sum(w, axis=0, keepdims=True)
    sum_wa = jnp.sum(w * amps_ref[...], axis=0, keepdims=True)
    sum_wb = jnp.sum(w * biases_ref[...], axis=0, keepdims=True)
    out = (basis_sum * sum_wa + sum_wb) / sum_w
    out_ref[...] = fs_ref[0, 0] * out + fb_ref[0, 0]


def _rep_spec(shape):
    return pl.BlockSpec(shape, lambda i: (0, 0))


@jax.jit
def kernel(x, freqs, phases, amps, biases, gate_w, final_scale, final_bias):
    B = x.shape[0]
    xr = x.reshape(1, B)
    fcol = freqs.reshape(N_BASIS, 1)
    pcol = phases.reshape(N_BASIS, 1)
    f2 = fcol
    p2 = pcol
    amps_c = amps.reshape(N_SWARM, 1)
    biases_c = biases.reshape(N_SWARM, 1)
    fs = final_scale.reshape(1, 1)
    fb = final_bias.reshape(1, 1)

    out_poly, flag_f = pl.pallas_call(
        _poly_body,
        grid=(B // BLOCK_T,),
        in_specs=[
            pl.BlockSpec((1, BLOCK_T), lambda i: (0, i)),
            _rep_spec((N_BASIS, 1)),
            _rep_spec((N_BASIS, 1)),
            _rep_spec((N_SWARM, 1)),
            _rep_spec((N_SWARM, 1)),
            _rep_spec((N_SWARM, N_BASIS)),
            _rep_spec((1, 1)),
            _rep_spec((1, 1)),
        ],
        out_specs=(pl.BlockSpec((1, BLOCK_T), lambda i: (0, i)),
                   pl.BlockSpec((1, BLOCK_T), lambda i: (0, i))),
        out_shape=(jax.ShapeDtypeStruct((1, B), jnp.float32),
                   jax.ShapeDtypeStruct((1, B), jnp.float32)),
    )(xr, f2, p2, amps_c, biases_c, gate_w, fs, fb)

    flag = (flag_f.reshape(B) > 0.5).astype(jnp.int32)
    pos = jnp.cumsum(flag) - 1
    count = pos[-1] + 1
    idx = jnp.full((EXACT_CAP,), B, dtype=jnp.int32)
    idx = idx.at[jnp.where(flag == 1, pos, EXACT_CAP)].set(
        jnp.arange(B, dtype=jnp.int32), mode='drop')
    xg = jnp.where(idx < B, x.reshape(B)[jnp.minimum(idx, B - 1)], 0.0)

    out_exact = pl.pallas_call(
        _exact_body,
        grid=(1,),
        in_specs=[
            pl.BlockSpec((1, EXACT_CAP), lambda i: (0, 0)),
            _rep_spec((N_BASIS, 1)),
            _rep_spec((N_BASIS, 1)),
            _rep_spec((N_SWARM, 1)),
            _rep_spec((N_SWARM, 1)),
            _rep_spec((N_SWARM, N_BASIS)),
            _rep_spec((1, 1)),
            _rep_spec((1, 1)),
        ],
        out_specs=pl.BlockSpec((1, EXACT_CAP), lambda i: (0, 0)),
        out_shape=jax.ShapeDtypeStruct((1, EXACT_CAP), jnp.float32),
    )(xg.reshape(1, EXACT_CAP), fcol, pcol, amps_c, biases_c, gate_w, fs, fb)

    valid = jnp.arange(EXACT_CAP, dtype=jnp.int32) < count
    scatter_idx = jnp.where(valid, idx, B)
    out = out_poly.reshape(B).at[scatter_idx].set(
        out_exact.reshape(EXACT_CAP), mode='drop')
    return out.reshape(B, 1)

# --- scband reference (transcript-rebuilt; emitter-appended) ---
"""Pipeline reference for scband-slsn-37658273251879 (READ-ONLY COPY).

The authoritative reference and input builder live on the scoring server;
editing this copy changes nothing except your own understanding.
"""

import jax, jax.numpy as jnp
import numpy as np
import math

N_SWARM = 64
K_ACTIVE = 8
N_BASIS = 256
B = 32768


def setup_inputs(seed: int = 0) -> dict:
    key = jax.random.key(seed)
    k_x, k_ph, k_amp, k_gate = jax.random.split(key, 4)
    x = jax.random.normal(k_x, (B, 1), dtype=jnp.float32)
    # buffers
    freqs = jnp.logspace(math.log10(1.0), math.log10(20.0), N_BASIS, dtype=jnp.float32)
    phases = jax.random.uniform(k_ph, (N_BASIS,), dtype=jnp.float32) * 2.0 * math.pi
    # parameters
    amps = jax.random.normal(k_amp, (N_SWARM,), dtype=jnp.float32) * 0.1
    biases = jnp.zeros((N_SWARM,), dtype=jnp.float32)
    bound = 1.0 / math.sqrt(N_BASIS)
    gate_w = jax.random.uniform(k_gate, (N_SWARM, N_BASIS), dtype=jnp.float32, minval=-bound, maxval=bound) * 0.1
    final_scale = jnp.ones((1,), dtype=jnp.float32)
    final_bias = jnp.zeros((1,), dtype=jnp.float32)
    return {"x": x, "freqs": freqs, "phases": phases, "amps": amps, "biases": biases, "gate_w": gate_w, "final_scale": final_scale, "final_bias": final_bias}


def reference(x, freqs, phases, amps, biases, gate_w, final_scale, final_bias):
    # basis: [B, n_basis]
    basis = jnp.sin(x * freqs + phases)
    # gate (Linear without bias): [B, n_swarm]
    gate_logits = basis @ gate_w.T
    # sparse top-k gating
    topk_vals, topk_idx = jax.lax.top_k(gate_logits, K_ACTIVE)
    gate_weights = jax.nn.softmax(topk_vals, axis=1)
    basis_sum = jnp.sum(basis, axis=1, keepdims=True)
    # gather per-expert params: [B, k_active]
    micro_out = amps[topk_idx] * basis_sum + biases[topk_idx]
    out = jnp.sum(gate_weights * micro_out, axis=1, keepdims=True)
    return final_scale * out + final_bias

if __name__ == "__main__":
    import jax
    _d = setup_inputs()
    print(jax.jit(kernel)(*tuple(_d.values())))

</pallas_src>

<mosaic_0001>
module attributes {stable_mosaic.version = 14 : i64} {
  func.func @_poly_body(%arg0: i32, %arg1: memref<1x4096xf32, #tpu.memory_space<vmem>>, %arg2: memref<256x1xf32, #tpu.memory_space<vmem>>, %arg3: memref<256x1xf32, #tpu.memory_space<vmem>>, %arg4: memref<64x1xf32, #tpu.memory_space<vmem>>, %arg5: memref<64x1xf32, #tpu.memory_space<vmem>>, %arg6: memref<64x256xf32, #tpu.memory_space<vmem>>, %arg7: memref<1x1xf32, #tpu.memory_space<vmem>>, %arg8: memref<1x1xf32, #tpu.memory_space<vmem>>, %arg9: memref<1x4096xf32, #tpu.memory_space<vmem>>, %arg10: memref<1x4096xf32, #tpu.memory_space<vmem>>) attributes {dimension_semantics = [#tpu.dimension_semantics<arbitrary>], iteration_bounds = array<i64: 8>, scalar_prefetch = 0 : i64, scratch_operands = 0 : i64, tpu.core_type = #tpu.core_type<tc>, window_params = [{transform_indices = @transform_0, window_bounds = array<i64: 1, 4096>}, {pipeline_mode = #tpu.pipeline_mode<synchronous>, transform_indices = @transform_1, window_bounds = array<i64: 256, 1>}, {pipeline_mode = #tpu.pipeline_mode<synchronous>, transform_indices = @transform_2, window_bounds = array<i64: 256, 1>}, {pipeline_mode = #tpu.pipeline_mode<synchronous>, transform_indices = @transform_3, window_bounds = array<i64: 64, 1>}, {pipeline_mode = #tpu.pipeline_mode<synchronous>, transform_indices = @transform_4, window_bounds = array<i64: 64, 1>}, {pipeline_mode = #tpu.pipeline_mode<synchronous>, transform_indices = @transform_5, window_bounds = array<i64: 64, 256>}, {pipeline_mode = #tpu.pipeline_mode<synchronous>, transform_indices = @transform_6, window_bounds = array<i64: 1, 1>}, {pipeline_mode = #tpu.pipeline_mode<synchronous>, transform_indices = @transform_7, window_bounds = array<i64: 1, 1>}, {transform_indices = @transform_8, window_bounds = array<i64: 1, 4096>}, {transform_indices = @transform_9, window_bounds = array<i64: 1, 4096>}]} {
    %get3A = arith.constant 0 : index
    %get3A_0 = arith.constant 0 : index
    %get3A_1 = vector.load %arg1[%get3A, %get3A_0] : memref<1x4096xf32, #tpu.memory_space<vmem>>, vector<1x4096xf32>
    %get3A_2 = arith.constant 0 : index
    %get3A_3 = arith.constant 0 : index
    %get3A_4 = vector.load %arg2[%get3A_2, %get3A_3] : memref<256x1xf32, #tpu.memory_space<vmem>>, vector<256x1xf32>
    %mul3A = vector.broadcast %get3A_4 : vector<256x1xf32> to vector<256x4096xf32>
    %mul3A_5 = vector.broadcast %get3A_1 : vector<1x4096xf32> to vector<256x4096xf32>
    %mul3A_6 = arith.mulf %mul3A, %mul3A_5 : vector<256x4096xf32>
    %get3A_7 = arith.constant 0 : index
    %get3A_8 = arith.constant 0 : index
    %get3A_9 = vector.load %arg3[%get3A_7, %get3A_8] : memref<256x1xf32, #tpu.memory_space<vmem>>, vector<256x1xf32>
    %add3A = vector.broadcast %get3A_9 : vector<256x1xf32> to vector<256x4096xf32>
    %add3A_10 = arith.addf %mul3A_6, %add3A : vector<256x4096xf32>
    %mul3A_11 = arith.constant 0.159154937 : f32
    %mul3A_12 = vector.broadcast %mul3A_11 : f32 to vector<256x4096xf32>
    %mul3A_13 = arith.mulf %add3A_10, %mul3A_12 : vector<256x4096xf32>
    %round3A = math.roundeven %mul3A_13 : vector<256x4096xf32>
    %mul3A_14 = arith.constant 6.281250e+00 : f32
    %mul3A_15 = vector.broadcast %mul3A_14 : f32 to vector<256x4096xf32>
    %mul3A_16 = arith.mulf %round3A, %mul3A_15 : vector<256x4096xf32>
    %sub3A = arith.subf %add3A_10, %mul3A_16 : vector<256x4096xf32>
    %mul3A_17 = arith.constant 0.00193530717 : f32
    %mul3A_18 = vector.broadcast %mul3A_17 : f32 to vector<256x4096xf32>
    %mul3A_19 = arith.mulf %round3A, %mul3A_18 : vector<256x4096xf32>
    %sub3A_20 = arith.subf %sub3A, %mul3A_19 : vector<256x4096xf32>
    %mul3A_21 = arith.mulf %sub3A_20, %sub3A_20 : vector<256x4096xf32>
    %mul3A_22 = arith.constant -1.34524988E-10 : f32
    %mul3A_23 = vector.broadcast %mul3A_22 : f32 to vector<256x4096xf32>
    %mul3A_24 = arith.mulf %mul3A_23, %mul3A_21 : vector<256x4096xf32>
    %add3A_25 = arith.constant 2.33499868E-8 : f32
    %add3A_26 = vector.broadcast %add3A_25 : f32 to vector<256x4096xf32>
    %add3A_27 = arith.addf %mul3A_24, %add3A_26 : vector<256x4096xf32>
    %mul3A_28 = arith.mulf %add3A_27, %mul3A_21 : vector<256x4096xf32>
    %add3A_29 = arith.constant -2.52250356E-6 : f32
    %add3A_30 = vector.broadcast %add3A_29 : f32 to vector<256x4096xf32>
    %add3A_31 = arith.addf %mul3A_28, %add3A_30 : vector<256x4096xf32>
    %mul3A_32 = arith.mulf %add3A_31, %mul3A_21 : vector<256x4096xf32>
    %add3A_33 = arith.constant 1.73505541E-4 : f32
    %add3A_34 = vector.broadcast %add3A_33 : f32 to vector<256x4096xf32>
    %add3A_35 = arith.addf %mul3A_32, %add3A_34 : vector<256x4096xf32>
    %mul3A_36 = arith.mulf %add3A_35, %mul3A_21 : vector<256x4096xf32>
    %add3A_37 = arith.constant -0.00662087975 : f32
    %add3A_38 = vector.broadcast %add3A_37 : f32 to vector<256x4096xf32>
    %add3A_39 = arith.addf %mul3A_36, %add3A_38 : vector<256x4096xf32>
    %mul3A_40 = arith.mulf %add3A_39, %mul3A_21 : vector<256x4096xf32>
    %add3A_41 = arith.constant 0.101321183 : f32
    %add3A_42 = vector.broadcast %add3A_41 : f32 to vector<256x4096xf32>
    %add3A_43 = arith.addf %mul3A_40, %add3A_42 : vector<256x4096xf32>
    %sub3A_44 = arith.constant 9.86960411 : f32
    %sub3A_45 = vector.broadcast %sub3A_44 : f32 to vector<256x4096xf32>
    %sub3A_46 = arith.subf %sub3A_45, %mul3A_21 : vector<256x4096xf32>
    %mul3A_47 = arith.mulf %sub3A_20, %sub3A_46 : vector<256x4096xf32>
    %mul3A_48 = arith.mulf %mul3A_47, %add3A_43 : vector<256x4096xf32>
    %reduce_sum3A = arith.constant dense<0.000000e+00> : vector<4096xf32>
    %reduce_sum3A_49 = vector.multi_reduction <add>, %mul3A_48, %reduce_sum3A [0] : vector<256x4096xf32> to vector<4096xf32>
    %broadcast_in_dim3A = vector.shape_cast %reduce_sum3A_49 : vector<4096xf32> to vector<1x4096xf32>
    %get3A_50 = arith.constant 0 : index
    %get3A_51 = arith.constant 0 : index
    %get3A_52 = vector.load %arg6[%get3A_50, %get3A_51] : memref<64x256xf32, #tpu.memory_space<vmem>>, vector<64x256xf32>
    %dot_general3A = arith.constant dense<0.000000e+00> : vector<64x4096xf32>
    %dot_general3A_53 = tpu.matmul %get3A_52, %mul3A_48, %dot_general3A {dimension_numbers = #tpu.dot_dimension_numbers<[1], [0], [0], [1], [0, 0, 1, 1], [], []>, transpose_lhs_hint = false} : vector<64x256xf32>, vector<256x4096xf32>, vector<64x4096xf32> -> vector<64x4096xf32>
    %reduce_max3A = arith.constant dense<0xFF800000> : vector<4096xf32>
    %reduce_max3A_54 = vector.multi_reduction <maximumf>, %dot_general3A_53, %reduce_max3A [0] : vector<64x4096xf32> to vector<4096xf32>
    %broadcast_in_dim3A_55 = vector.shape_cast %reduce_max3A_54 : vector<4096xf32> to vector<1x4096xf32>
    %eq3A = vector.broadcast %broadcast_in_dim3A_55 : vector<1x4096xf32> to vector<64x4096xf32>
    %eq3A_56 = arith.cmpf oeq, %dot_general3A_53, %eq3A : vector<64x4096xf32>
    %jit3A = arith.constant 0xFF800000 : f32
    %broadcast_in_dim3A_57 = vector.broadcast %jit3A : f32 to vector<64x4096xf32>
    %select_n3A = arith.select %eq3A_56, %broadcast_in_dim3A_57, %dot_general3A_53 : vector<64x4096xi1>, vector<64x4096xf32>
    %reduce_max3A_58 = arith.constant dense<0xFF800000> : vector<4096xf32>
    %reduce_max3A_59 = vector.multi_reduction <maximumf>, %select_n3A, %reduce_max3A_58 [0] : vector<64x4096xf32> to vector<4096xf32>
    %broadcast_in_dim3A_60 = vector.shape_cast %reduce_max3A_59 : vector<4096xf32> to vector<1x4096xf32>
    %eq3A_61 = vector.broadcast %broadcast_in_dim3A_60 : vector<1x4096xf32> to vector<64x4096xf32>
    %eq3A_62 = arith.cmpf oeq, %select_n3A, %eq3A_61 : vector<64x4096xf32>
    %jit3A_63 = arith.constant 0xFF800000 : f32
    %broadcast_in_dim3A_64 = vector.broadcast %jit3A_63 : f32 to vector<64x4096xf32>
    %select_n3A_65 = arith.select %eq3A_62, %broadcast_in_dim3A_64, %select_n3A : vector<64x4096xi1>, vector<64x4096xf32>
    %reduce_max3A_66 = arith.constant dense<0xFF800000> : vector<4096xf32>
    %reduce_max3A_67 = vector.multi_reduction <maximumf>, %select_n3A_65, %reduce_max3A_66 [0] : vector<64x4096xf32> to vector<4096xf32>
    %broadcast_in_dim3A_68 = vector.shape_cast %reduce_max3A_67 : vector<4096xf32> to vector<1x4096xf32>
    %eq3A_69 = vector.broadcast %broadcast_in_dim3A_68 : vector<1x4096xf32> to vector<64x4096xf32>
    %eq3A_70 = arith.cmpf oeq, %select_n3A_65, %eq3A_69 : vector<64x4096xf32>
    %jit3A_71 = arith.constant 0xFF800000 : f32
    %broadcast_in_dim3A_72 = vector.broadcast %jit3A_71 : f32 to vector<64x4096xf32>
    %select_n3A_73 = arith.select %eq3A_70, %broadcast_in_dim3A_72, %select_n3A_65 : vector<64x4096xi1>, vector<64x4096xf32>
    %reduce_max3A_74 = arith.constant dense<0xFF800000> : vector<4096xf32>
    %reduce_max3A_75 = vector.multi_reduction <maximumf>, %select_n3A_73, %reduce_max3A_74 [0] : vector<64x4096xf32> to vector<4096xf32>
    %broadcast_in_dim3A_76 = vector.shape_cast %reduce_max3A_75 : vector<4096xf32> to vector<1x4096xf32>
    %eq3A_77 = vector.broadcast %broadcast_in_dim3A_76 : vector<1x4096xf32> to vector<64x4096xf32>
    %eq3A_78 = arith.cmpf oeq, %select_n3A_73, %eq3A_77 : vector<64x4096xf32>
    %jit3A_79 = arith.constant 0xFF800000 : f32
    %broadcast_in_dim3A_80 = vector.broadcast %jit3A_79 : f32 to vector<64x4096xf32>
    %select_n3A_81 = arith.select %eq3A_78, %broadcast_in_dim3A_80, %select_n3A_73 : vector<64x4096xi1>, vector<64x4096xf32>
    %reduce_max3A_82 = arith.constant dense<0xFF800000> : vector<4096xf32>
    %reduce_max3A_83 = vector.multi_reduction <maximumf>, %select_n3A_81, %reduce_max3A_82 [0] : vector<64x4096xf32> to vector<4096xf32>
    %broadcast_in_dim3A_84 = vector.shape_cast %reduce_max3A_83 : vector<4096xf32> to vector<1x4096xf32>
    %eq3A_85 = vector.broadcast %broadcast_in_dim3A_84 : vector<1x4096xf32> to vector<64x4096xf32>
    %eq3A_86 = arith.cmpf oeq, %select_n3A_81, %eq3A_85 : vector<64x4096xf32>
    %jit3A_87 = arith.constant 0xFF800000 : f32
    %broadcast_in_dim3A_88 = vector.broadcast %jit3A_87 : f32 to vector<64x4096xf32>
    %select_n3A_89 = arith.select %eq3A_86, %broadcast_in_dim3A_88, %select_n3A_81 : vector<64x4096xi1>, vector<64x4096xf32>
    %reduce_max3A_90 = arith.constant dense<0xFF800000> : vector<4096xf32>
    %reduce_max3A_91 = vector.multi_reduction <maximumf>, %select_n3A_89, %reduce_max3A_90 [0] : vector<64x4096xf32> to vector<4096xf32>
    %broadcast_in_dim3A_92 = vector.shape_cast %reduce_max3A_91 : vector<4096xf32> to vector<1x4096xf32>
    %eq3A_93 = vector.broadcast %broadcast_in_dim3A_92 : vector<1x4096xf32> to vector<64x4096xf32>
    %eq3A_94 = arith.cmpf oeq, %select_n3A_89, %eq3A_93 : vector<64x4096xf32>
    %jit3A_95 = arith.constant 0xFF800000 : f32
    %broadcast_in_dim3A_96 = vector.broadcast %jit3A_95 : f32 to vector<64x4096xf32>
    %select_n3A_97 = arith.select %eq3A_94, %broadcast_in_dim3A_96, %select_n3A_89 : vector<64x4096xi1>, vector<64x4096xf32>
    %reduce_max3A_98 = arith.constant dense<0xFF800000> : vector<4096xf32>
    %reduce_max3A_99 = vector.multi_reduction <maximumf>, %select_n3A_97, %reduce_max3A_98 [0] : vector<64x4096xf32> to vector<4096xf32>
    %broadcast_in_dim3A_100 = vector.shape_cast %reduce_max3A_99 : vector<4096xf32> to vector<1x4096xf32>
    %eq3A_101 = vector.broadcast %broadcast_in_dim3A_100 : vector<1x4096xf32> to vector<64x4096xf32>
    %eq3A_102 = arith.cmpf oeq, %select_n3A_97, %eq3A_101 : vector<64x4096xf32>
    %jit3A_103 = arith.constant 0xFF800000 : f32
    %broadcast_in_dim3A_104 = vector.broadcast %jit3A_103 : f32 to vector<64x4096xf32>
    %select_n3A_105 = arith.select %eq3A_102, %broadcast_in_dim3A_104, %select_n3A_97 : vector<64x4096xi1>, vector<64x4096xf32>
    %reduce_max3A_106 = arith.constant dense<0xFF800000> : vector<4096xf32>
    %reduce_max3A_107 = vector.multi_reduction <maximumf>, %select_n3A_105, %reduce_max3A_106 [0] : vector<64x4096xf32> to vector<4096xf32>
    %broadcast_in_dim3A_108 = vector.shape_cast %reduce_max3A_107 : vector<4096xf32> to vector<1x4096xf32>
    %eq3A_109 = vector.broadcast %broadcast_in_dim3A_108 : vector<1x4096xf32> to vector<64x4096xf32>
    %eq3A_110 = arith.cmpf oeq, %select_n3A_105, %eq3A_109 : vector<64x4096xf32>
    %jit3A_111 = arith.constant 0xFF800000 : f32
    %broadcast_in_dim3A_112 = vector.broadcast %jit3A_111 : f32 to vector<64x4096xf32>
    %select_n3A_113 = arith.select %eq3A_110, %broadcast_in_dim3A_112, %select_n3A_105 : vector<64x4096xi1>, vector<64x4096xf32>
    %reduce_max3A_114 = arith.constant dense<0xFF800000> : vector<4096xf32>
    %reduce_max3A_115 = vector.multi_reduction <maximumf>, %select_n3A_113, %reduce_max3A_114 [0] : vector<64x4096xf32> to vector<4096xf32>
    %broadcast_in_dim3A_116 = vector.shape_cast %reduce_max3A_115 : vector<4096xf32> to vector<1x4096xf32>
    %ge3A = vector.broadcast %broadcast_in_dim3A_108 : vector<1x4096xf32> to vector<64x4096xf32>
    %ge3A_117 = arith.cmpf oge, %dot_general3A_53, %ge3A : vector<64x4096xf32>
    %convert_element_type3A = arith.extui %ge3A_117 : vector<64x4096xi1> to vector<64x4096xi32>
    %convert_element_type3A_118 = arith.sitofp %convert_element_type3A : vector<64x4096xi32> to vector<64x4096xf32>
    %reduce_sum3A_119 = arith.constant dense<0.000000e+00> : vector<4096xf32>
    %reduce_sum3A_120 = vector.multi_reduction <add>, %convert_element_type3A_118, %reduce_sum3A_119 [0] : vector<64x4096xf32> to vector<4096xf32>
    %broadcast_in_dim3A_121 = vector.shape_cast %reduce_sum3A_120 : vector<4096xf32> to vector<1x4096xf32>
    %sub3A_122 = arith.subf %broadcast_in_dim3A_108, %broadcast_in_dim3A_116 : vector<1x4096xf32>
    %lt3A = arith.constant 2.500000e-04 : f32
    %lt3A_123 = vector.broadcast %lt3A : f32 to vector<1x4096xf32>
    %lt3A_124 = arith.cmpf olt, %sub3A_122, %lt3A_123 : vector<1x4096xf32>
    %ne3A = arith.constant 8.000000e+00 : f32
    %ne3A_125 = vector.broadcast %ne3A : f32 to vector<1x4096xf32>
    %ne3A_126 = arith.cmpf one, %broadcast_in_dim3A_121, %ne3A_125 : vector<1x4096xf32>
    %or3A = arith.ori %lt3A_124, %ne3A_126 : vector<1x4096xi1>
    %convert_element_type3A_127 = arith.extui %or3A : vector<1x4096xi1> to vector<1x4096xi32>
    %convert_element_type3A_128 = arith.sitofp %convert_element_type3A_127 : vector<1x4096xi32> to vector<1x4096xf32>
    %swap3A = arith.constant 0 : index
    %swap3A_129 = arith.constant 0 : index
    %swap3A_130 = vector.load %arg10[%swap3A, %swap3A_129] : memref<1x4096xf32, #tpu.memory_space<vmem>>, vector<1x4096xf32>
    tpu.vector_store %arg10[%swap3A, %swap3A_129], %convert_element_type3A_128 {strides = array<i32>} : memref<1x4096xf32, #tpu.memory_space<vmem>>, vector<1x4096xf32>,
    %sub3A_131 = vector.broadcast %broadcast_in_dim3A_55 : vector<1x4096xf32> to vector<64x4096xf32>
    %sub3A_132 = arith.subf %dot_general3A_53, %sub3A_131 : vector<64x4096xf32>
    %exp3A = math.exp %sub3A_132 : vector<64x4096xf32>
    %jit3A_133 = arith.constant 0.000000e+00 : f32
    %broadcast_in_dim3A_134 = vector.broadcast %jit3A_133 : f32 to vector<64x4096xf32>
    %select_n3A_135 = arith.select %ge3A_117, %exp3A, %broadcast_in_dim3A_134 : vector<64x4096xi1>, vector<64x4096xf32>
    %reduce_sum3A_136 = arith.constant dense<0.000000e+00> : vector<4096xf32>
    %reduce_sum3A_137 = vector.multi_reduction <add>, %select_n3A_135, %reduce_sum3A_136 [0] : vector<64x4096xf32> to vector<4096xf32>
    %broadcast_in_dim3A_138 = vector.shape_cast %reduce_sum3A_137 : vector<4096xf32> to vector<1x4096xf32>
    %get3A_139 = arith.constant 0 : index
    %get3A_140 = arith.constant 0 : index
    %get3A_141 = vector.load %arg4[%get3A_139, %get3A_140] : memref<64x1xf32, #tpu.memory_space<vmem>>, vector<64x1xf32>
    %mul3A_142 = vector.broadcast %get3A_141 : vector<64x1xf32> to vector<64x4096xf32>
    %mul3A_143 = arith.mulf %select_n3A_135, %mul3A_142 : vector<64x4096xf32>
    %reduce_sum3A_144 = arith.constant dense<0.000000e+00> : vector<4096xf32>
    %reduce_sum3A_145 = vector.multi_reduction <add>, %mul3A_143, %reduce_sum3A_144 [0] : vector<64x4096xf32> to vector<4096xf32>
    %broadcast_in_dim3A_146 = vector.shape_cast %reduce_sum3A_145 : vector<4096xf32> to vector<1x4096xf32>
    %get3A_147 = arith.constant 0 : index
    %get3A_148 = arith.constant 0 : index
    %get3A_149 = vector.load %arg5[%get3A_147, %get3A_148] : memref<64x1xf32, #tpu.memory_space<vmem>>, vector<64x1xf32>
    %mul3A_150 = vector.broadcast %get3A_149 : vector<64x1xf32> to vector<64x4096xf32>
    %mul3A_151 = arith.mulf %select_n3A_135, %mul3A_150 : vector<64x4096xf32>
    %reduce_sum3A_152 = arith.constant dense<0.000000e+00> : vector<4096xf32>
    %reduce_sum3A_153 = vector.multi_reduction <add>, %mul3A_151, %reduce_sum3A_152 [0] : vector<64x4096xf32> to vector<4096xf32>
    %broadcast_in_dim3A_154 = vector.shape_cast %reduce_sum3A_153 : vector<4096xf32> to vector<1x4096xf32>
    %mul3A_155 = arith.mulf %broadcast_in_dim3A, %broadcast_in_dim3A_146 : vector<1x4096xf32>
    %add3A_156 = arith.addf %mul3A_155, %broadcast_in_dim3A_154 : vector<1x4096xf32>
    %div3A = arith.divf %add3A_156, %broadcast_in_dim3A_138 : vector<1x4096xf32>
    %get3A_157 = arith.constant 0 : index
    %get3A_158 = arith.constant 0 : index
    %get3A_159 = vector.load %arg7[%get3A_157, %get3A_158] : memref<1x1xf32, #tpu.memory_space<vmem>>, vector<1x1xf32>
    %get3A_160 = vector.extract %get3A_159[0, 0] : f32 from vector<1x1xf32>
    %mul3A_161 = vector.broadcast %get3A_160 : f32 to vector<1x4096xf32>
    %mul3A_162 = arith.mulf %mul3A_161, %div3A : vector<1x4096xf32>
    %get3A_163 = arith.constant 0 : index
    %get3A_164 = arith.constant 0 : index
    %get3A_165 = vector.load %arg8[%get3A_163, %get3A_164] : memref<1x1xf32, #tpu.memory_space<vmem>>, vector<1x1xf32>
    %get3A_166 = vector.extract %get3A_165[0, 0] : f32 from vector<1x1xf32>
    %add3A_167 = vector.broadcast %get3A_166 : f32 to vector<1x4096xf32>
    %add3A_168 = arith.addf %mul3A_162, %add3A_167 : vector<1x4096xf32>
    %swap3A_169 = arith.constant 0 : index
    %swap3A_170 = arith.constant 0 : index
    %swap3A_171 = vector.load %arg9[%swap3A_169, %swap3A_170] : memref<1x4096xf32, #tpu.memory_space<vmem>>, vector<1x4096xf32>
    tpu.vector_store %arg9[%swap3A_169, %swap3A_170], %add3A_168 {strides = array<i32>} : memref<1x4096xf32, #tpu.memory_space<vmem>>, vector<1x4096xf32>,
    return
  }
  func.func @transform_0(%arg0: i32) -> (i32, i32) {
    %c0_i32 = arith.constant 0 : i32
    %c0_i32_0 = arith.constant 0 : i32
    return %c0_i32, %arg0 : i32, i32
  }
  func.func @transform_1(%arg0: i32) -> (i32, i32) {
    %c0_i32 = arith.constant 0 : i32
    %c0_i32_0 = arith.constant 0 : i32
    %c0_i32_1 = arith.constant 0 : i32
    return %c0_i32, %c0_i32_0 : i32, i32
  }
  func.func @transform_2(%arg0: i32) -> (i32, i32) {
    %c0_i32 = arith.constant 0 : i32
    %c0_i32_0 = arith.constant 0 : i32
    %c0_i32_1 = arith.constant 0 : i32
    return %c0_i32, %c0_i32_0 : i32, i32
  }
  func.func @transform_3(%arg0: i32) -> (i32, i32) {
    %c0_i32 = arith.constant 0 : i32
    %c0_i32_0 = arith.constant 0 : i32
    %c0_i32_1 = arith.constant 0 : i32
    return %c0_i32, %c0_i32_0 : i32, i32
  }
  func.func @transform_4(%arg0: i32) -> (i32, i32) {
    %c0_i32 = arith.constant 0 : i32
    %c0_i32_0 = arith.constant 0 : i32
    %c0_i32_1 = arith.constant 0 : i32
    return %c0_i32, %c0_i32_0 : i32, i32
  }
  func.func @transform_5(%arg0: i32) -> (i32, i32) {
    %c0_i32 = arith.constant 0 : i32
    %c0_i32_0 = arith.constant 0 : i32
    %c0_i32_1 = arith.constant 0 : i32
    return %c0_i32, %c0_i32_0 : i32, i32
  }
  func.func @transform_6(%arg0: i32) -> (i32, i32) {
    %c0_i32 = arith.constant 0 : i32
    %c0_i32_0 = arith.constant 0 : i32
    %c0_i32_1 = arith.constant 0 : i32
    return %c0_i32, %c0_i32_0 : i32, i32
  }
  func.func @transform_7(%arg0: i32) -> (i32, i32) {
    %c0_i32 = arith.constant 0 : i32
    %c0_i32_0 = arith.constant 0 : i32
    %c0_i32_1 = arith.constant 0 : i32
    return %c0_i32, %c0_i32_0 : i32, i32
  }
  func.func @transform_8(%arg0: i32) -> (i32, i32) {
    %c0_i32 = arith.constant 0 : i32
    %c0_i32_0 = arith.constant 0 : i32
    return %c0_i32, %arg0 : i32, i32
  }
  func.func @transform_9(%arg0: i32) -> (i32, i32) {
    %c0_i32 = arith.constant 0 : i32
    %c0_i32_0 = arith.constant 0 : i32
    return %c0_i32, %arg0 : i32, i32
  }
}

module attributes {stable_mosaic.version = 14 : i64} {
  func.func @_exact_body(%arg0: i32, %arg1: memref<1x4096xf32, #tpu.memory_space<vmem>>, %arg2: memref<256x1xf32, #tpu.memory_space<vmem>>, %arg3: memref<256x1xf32, #tpu.memory_space<vmem>>, %arg4: memref<64x1xf32, #tpu.memory_space<vmem>>, %arg5: memref<64x1xf32, #tpu.memory_space<vmem>>, %arg6: memref<64x256xf32, #tpu.memory_space<vmem>>, %arg7: memref<1x1xf32, #tpu.memory_space<vmem>>, %arg8: memref<1x1xf32, #tpu.memory_space<vmem>>, %arg9: memref<1x4096xf32, #tpu.memory_space<vmem>>) attributes {dimension_semantics = [#tpu.dimension_semantics<arbitrary>], iteration_bounds = array<i64: 1>, scalar_prefetch = 0 : i64, scratch_operands = 0 : i64, tpu.core_type = #tpu.core_type<tc>, window_params = [{pipeline_mode = #tpu.pipeline_mode<synchronous>, transform_indices = @transform_0, window_bounds = array<i64: 1, 4096>}, {pipeline_mode = #tpu.pipeline_mode<synchronous>, transform_indices = @transform_1, window_bounds = array<i64: 256, 1>}, {pipeline_mode = #tpu.pipeline_mode<synchronous>, transform_indices = @transform_2, window_bounds = array<i64: 256, 1>}, {pipeline_mode = #tpu.pipeline_mode<synchronous>, transform_indices = @transform_3, window_bounds = array<i64: 64, 1>}, {pipeline_mode = #tpu.pipeline_mode<synchronous>, transform_indices = @transform_4, window_bounds = array<i64: 64, 1>}, {pipeline_mode = #tpu.pipeline_mode<synchronous>, transform_indices = @transform_5, window_bounds = array<i64: 64, 256>}, {pipeline_mode = #tpu.pipeline_mode<synchronous>, transform_indices = @transform_6, window_bounds = array<i64: 1, 1>}, {pipeline_mode = #tpu.pipeline_mode<synchronous>, transform_indices = @transform_7, window_bounds = array<i64: 1, 1>}, {pipeline_mode = #tpu.pipeline_mode<synchronous>, transform_indices = @transform_8, window_bounds = array<i64: 1, 4096>}]} {
    %get3A = arith.constant 0 : index
    %get3A_0 = arith.constant 0 : index
    %get3A_1 = vector.load %arg1[%get3A, %get3A_0] : memref<1x4096xf32, #tpu.memory_space<vmem>>, vector<1x4096xf32>
    %get3A_2 = arith.constant 0 : index
    %get3A_3 = arith.constant 0 : index
    %get3A_4 = vector.load %arg2[%get3A_2, %get3A_3] : memref<256x1xf32, #tpu.memory_space<vmem>>, vector<256x1xf32>
    %mul3A = vector.broadcast %get3A_4 : vector<256x1xf32> to vector<256x4096xf32>
    %mul3A_5 = vector.broadcast %get3A_1 : vector<1x4096xf32> to vector<256x4096xf32>
    %mul3A_6 = arith.mulf %mul3A, %mul3A_5 : vector<256x4096xf32>
    %get3A_7 = arith.constant 0 : index
    %get3A_8 = arith.constant 0 : index
    %get3A_9 = vector.load %arg3[%get3A_7, %get3A_8] : memref<256x1xf32, #tpu.memory_space<vmem>>, vector<256x1xf32>
    %add3A = vector.broadcast %get3A_9 : vector<256x1xf32> to vector<256x4096xf32>
    %add3A_10 = arith.addf %mul3A_6, %add3A : vector<256x4096xf32>
    %sin3A = math.sin %add3A_10 : vector<256x4096xf32>
    %reduce_sum3A = arith.constant dense<0.000000e+00> : vector<4096xf32>
    %reduce_sum3A_11 = vector.multi_reduction <add>, %sin3A, %reduce_sum3A [0] : vector<256x4096xf32> to vector<4096xf32>
    %broadcast_in_dim3A = vector.shape_cast %reduce_sum3A_11 : vector<4096xf32> to vector<1x4096xf32>
    %get3A_12 = arith.constant 0 : index
    %get3A_13 = arith.constant 0 : index
    %get3A_14 = vector.load %arg6[%get3A_12, %get3A_13] : memref<64x256xf32, #tpu.memory_space<vmem>>, vector<64x256xf32>
    %dot_general3A = arith.constant dense<0.000000e+00> : vector<64x4096xf32>
    %dot_general3A_15 = tpu.matmul %get3A_14, %sin3A, %dot_general3A {dimension_numbers = #tpu.dot_dimension_numbers<[1], [0], [0], [1], [0, 0, 1, 1], [], []>, transpose_lhs_hint = false} : vector<64x256xf32>, vector<256x4096xf32>, vector<64x4096xf32> -> vector<64x4096xf32>
    %iota3A = tpu.iota {dimensions = array<i32: 0>} : vector<64x4096xi32>
    %reduce_max3A = arith.constant dense<0xFF800000> : vector<4096xf32>
    %reduce_max3A_16 = vector.multi_reduction <maximumf>, %dot_general3A_15, %reduce_max3A [0] : vector<64x4096xf32> to vector<4096xf32>
    %broadcast_in_dim3A_17 = vector.shape_cast %reduce_max3A_16 : vector<4096xf32> to vector<1x4096xf32>
    %broadcast_in_dim3A_18 = arith.constant false
    %broadcast_in_dim3A_19 = vector.broadcast %broadcast_in_dim3A_18 : i1 to vector<64x4096xi1>
    %eq3A = vector.broadcast %broadcast_in_dim3A_17 : vector<1x4096xf32> to vector<64x4096xf32>
    %eq3A_20 = arith.cmpf oeq, %dot_general3A_15, %eq3A : vector<64x4096xf32>
    %jit3A = arith.constant 64 : i32
    %broadcast_in_dim3A_21 = vector.broadcast %jit3A : i32 to vector<64x4096xi32>
    %select_n3A = arith.select %eq3A_20, %iota3A, %broadcast_in_dim3A_21 : vector<64x4096xi1>, vector<64x4096xi32>
    %reduce_min3A = arith.constant dense<2147483647> : vector<4096xi32>
    %reduce_min3A_22 = vector.multi_reduction <minsi>, %select_n3A, %reduce_min3A [0] : vector<64x4096xi32> to vector<4096xi32>
    %broadcast_in_dim3A_23 = vector.shape_cast %reduce_min3A_22 : vector<4096xi32> to vector<1x4096xi32>
    %eq3A_24 = vector.broadcast %broadcast_in_dim3A_23 : vector<1x4096xi32> to vector<64x4096xi32>
    %eq3A_25 = arith.cmpi eq, %iota3A, %eq3A_24 : vector<64x4096xi32>
    %or3A = arith.ori %broadcast_in_dim3A_19, %eq3A_25 : vector<64x4096xi1>
    %jit3A_26 = arith.constant 0xFF800000 : f32
    %broadcast_in_dim3A_27 = vector.broadcast %jit3A_26 : f32 to vector<64x4096xf32>
    %select_n3A_28 = arith.select %eq3A_25, %broadcast_in_dim3A_27, %dot_general3A_15 : vector<64x4096xi1>, vector<64x4096xf32>
    %reduce_max3A_29 = arith.constant dense<0xFF800000> : vector<4096xf32>
    %reduce_max3A_30 = vector.multi_reduction <maximumf>, %select_n3A_28, %reduce_max3A_29 [0] : vector<64x4096xf32> to vector<4096xf32>
    %broadcast_in_dim3A_31 = vector.shape_cast %reduce_max3A_30 : vector<4096xf32> to vector<1x4096xf32>
    %eq3A_32 = vector.broadcast %broadcast_in_dim3A_31 : vector<1x4096xf32> to vector<64x4096xf32>
    %eq3A_33 = arith.cmpf oeq, %select_n3A_28, %eq3A_32 : vector<64x4096xf32>
    %jit3A_34 = arith.constant 64 : i32
    %broadcast_in_dim3A_35 = vector.broadcast %jit3A_34 : i32 to vector<64x4096xi32>
    %select_n3A_36 = arith.select %eq3A_33, %iota3A, %broadcast_in_dim3A_35 : vector<64x4096xi1>, vector<64x4096xi32>
    %reduce_min3A_37 = arith.constant dense<2147483647> : vector<4096xi32>
    %reduce_min3A_38 = vector.multi_reduction <minsi>, %select_n3A_36, %reduce_min3A_37 [0] : vector<64x4096xi32> to vector<4096xi32>
    %broadcast_in_dim3A_39 = vector.shape_cast %reduce_min3A_38 : vector<4096xi32> to vector<1x4096xi32>
    %eq3A_40 = vector.broadcast %broadcast_in_dim3A_39 : vector<1x4096xi32> to vector<64x4096xi32>
    %eq3A_41 = arith.cmpi eq, %iota3A, %eq3A_40 : vector<64x4096xi32>
    %or3A_42 = arith.ori %or3A, %eq3A_41 : vector<64x4096xi1>
    %jit3A_43 = arith.constant 0xFF800000 : f32
    %broadcast_in_dim3A_44 = vector.broadcast %jit3A_43 : f32 to vector<64x4096xf32>
    %select_n3A_45 = arith.select %eq3A_41, %broadcast_in_dim3A_44, %select_n3A_28 : vector<64x4096xi1>, vector<64x4096xf32>
    %reduce_max3A_46 = arith.constant dense<0xFF800000> : vector<4096xf32>
    %reduce_max3A_47 = vector.multi_reduction <maximumf>, %select_n3A_45, %reduce_max3A_46 [0] : vector<64x4096xf32> to vector<4096xf32>
    %broadcast_in_dim3A_48 = vector.shape_cast %reduce_max3A_47 : vector<4096xf32> to vector<1x4096xf32>
    %eq3A_49 = vector.broadcast %broadcast_in_dim3A_48 : vector<1x4096xf32> to vector<64x4096xf32>
    %eq3A_50 = arith.cmpf oeq, %select_n3A_45, %eq3A_49 : vector<64x4096xf32>
    %jit3A_51 = arith.constant 64 : i32
    %broadcast_in_dim3A_52 = vector.broadcast %jit3A_51 : i32 to vector<64x4096xi32>
    %select_n3A_53 = arith.select %eq3A_50, %iota3A, %broadcast_in_dim3A_52 : vector<64x4096xi1>, vector<64x4096xi32>
    %reduce_min3A_54 = arith.constant dense<2147483647> : vector<4096xi32>
    %reduce_min3A_55 = vector.multi_reduction <minsi>, %select_n3A_53, %reduce_min3A_54 [0] : vector<64x4096xi32> to vector<4096xi32>
    %broadcast_in_dim3A_56 = vector.shape_cast %reduce_min3A_55 : vector<4096xi32> to vector<1x4096xi32>
    %eq3A_57 = vector.broadcast %broadcast_in_dim3A_56 : vector<1x4096xi32> to vector<64x4096xi32>
    %eq3A_58 = arith.cmpi eq, %iota3A, %eq3A_57 : vector<64x4096xi32>
    %or3A_59 = arith.ori %or3A_42, %eq3A_58 : vector<64x4096xi1>
    %jit3A_60 = arith.constant 0xFF800000 : f32
    %broadcast_in_dim3A_61 = vector.broadcast %jit3A_60 : f32 to vector<64x4096xf32>
    %select_n3A_62 = arith.select %eq3A_58, %broadcast_in_dim3A_61, %select_n3A_45 : vector<64x4096xi1>, vector<64x4096xf32>
    %reduce_max3A_63 = arith.constant dense<0xFF800000> : vector<4096xf32>
    %reduce_max3A_64 = vector.multi_reduction <maximumf>, %select_n3A_62, %reduce_max3A_63 [0] : vector<64x4096xf32> to vector<4096xf32>
    %broadcast_in_dim3A_65 = vector.shape_cast %reduce_max3A_64 : vector<4096xf32> to vector<1x4096xf32>
    %eq3A_66 = vector.broadcast %broadcast_in_dim3A_65 : vector<1x4096xf32> to vector<64x4096xf32>
    %eq3A_67 = arith.cmpf oeq, %select_n3A_62, %eq3A_66 : vector<64x4096xf32>
    %jit3A_68 = arith.constant 64 : i32
    %broadcast_in_dim3A_69 = vector.broadcast %jit3A_68 : i32 to vector<64x4096xi32>
    %select_n3A_70 = arith.select %eq3A_67, %iota3A, %broadcast_in_dim3A_69 : vector<64x4096xi1>, vector<64x4096xi32>
    %reduce_min3A_71 = arith.constant dense<2147483647> : vector<4096xi32>
    %reduce_min3A_72 = vector.multi_reduction <minsi>, %select_n3A_70, %reduce_min3A_71 [0] : vector<64x4096xi32> to vector<4096xi32>
    %broadcast_in_dim3A_73 = vector.shape_cast %reduce_min3A_72 : vector<4096xi32> to vector<1x4096xi32>
    %eq3A_74 = vector.broadcast %broadcast_in_dim3A_73 : vector<1x4096xi32> to vector<64x4096xi32>
    %eq3A_75 = arith.cmpi eq, %iota3A, %eq3A_74 : vector<64x4096xi32>
    %or3A_76 = arith.ori %or3A_59, %eq3A_75 : vector<64x4096xi1>
    %jit3A_77 = arith.constant 0xFF800000 : f32
    %broadcast_in_dim3A_78 = vector.broadcast %jit3A_77 : f32 to vector<64x4096xf32>
    %select_n3A_79 = arith.select %eq3A_75, %broadcast_in_dim3A_78, %select_n3A_62 : vector<64x4096xi1>, vector<64x4096xf32>
    %reduce_max3A_80 = arith.constant dense<0xFF800000> : vector<4096xf32>
    %reduce_max3A_81 = vector.multi_reduction <maximumf>, %select_n3A_79, %reduce_max3A_80 [0] : vector<64x4096xf32> to vector<4096xf32>
    %broadcast_in_dim3A_82 = vector.shape_cast %reduce_max3A_81 : vector<4096xf32> to vector<1x4096xf32>
    %eq3A_83 = vector.broadcast %broadcast_in_dim3A_82 : vector<1x4096xf32> to vector<64x4096xf32>
    %eq3A_84 = arith.cmpf oeq, %select_n3A_79, %eq3A_83 : vector<64x4096xf32>
    %jit3A_85 = arith.constant 64 : i32
    %broadcast_in_dim3A_86 = vector.broadcast %jit3A_85 : i32 to vector<64x4096xi32>
    %select_n3A_87 = arith.select %eq3A_84, %iota3A, %broadcast_in_dim3A_86 : vector<64x4096xi1>, vector<64x4096xi32>
    %reduce_min3A_88 = arith.constant dense<2147483647> : vector<4096xi32>
    %reduce_min3A_89 = vector.multi_reduction <minsi>, %select_n3A_87, %reduce_min3A_88 [0] : vector<64x4096xi32> to vector<4096xi32>
    %broadcast_in_dim3A_90 = vector.shape_cast %reduce_min3A_89 : vector<4096xi32> to vector<1x4096xi32>
    %eq3A_91 = vector.broadcast %broadcast_in_dim3A_90 : vector<1x4096xi32> to vector<64x4096xi32>
    %eq3A_92 = arith.cmpi eq, %iota3A, %eq3A_91 : vector<64x4096xi32>
    %or3A_93 = arith.ori %or3A_76, %eq3A_92 : vector<64x4096xi1>
    %jit3A_94 = arith.constant 0xFF800000 : f32
    %broadcast_in_dim3A_95 = vector.broadcast %jit3A_94 : f32 to vector<64x4096xf32>
    %select_n3A_96 = arith.select %eq3A_92, %broadcast_in_dim3A_95, %select_n3A_79 : vector<64x4096xi1>, vector<64x4096xf32>
    %reduce_max3A_97 = arith.constant dense<0xFF800000> : vector<4096xf32>
    %reduce_max3A_98 = vector.multi_reduction <maximumf>, %select_n3A_96, %reduce_max3A_97 [0] : vector<64x4096xf32> to vector<4096xf32>
    %broadcast_in_dim3A_99 = vector.shape_cast %reduce_max3A_98 : vector<4096xf32> to vector<1x4096xf32>
    %eq3A_100 = vector.broadcast %broadcast_in_dim3A_99 : vector<1x4096xf32> to vector<64x4096xf32>
    %eq3A_101 = arith.cmpf oeq, %select_n3A_96, %eq3A_100 : vector<64x4096xf32>
    %jit3A_102 = arith.constant 64 : i32
    %broadcast_in_dim3A_103 = vector.broadcast %jit3A_102 : i32 to vector<64x4096xi32>
    %select_n3A_104 = arith.select %eq3A_101, %iota3A, %broadcast_in_dim3A_103 : vector<64x4096xi1>, vector<64x4096xi32>
    %reduce_min3A_105 = arith.constant dense<2147483647> : vector<4096xi32>
    %reduce_min3A_106 = vector.multi_reduction <minsi>, %select_n3A_104, %reduce_min3A_105 [0] : vector<64x4096xi32> to vector<4096xi32>
    %broadcast_in_dim3A_107 = vector.shape_cast %reduce_min3A_106 : vector<4096xi32> to vector<1x4096xi32>
    %eq3A_108 = vector.broadcast %broadcast_in_dim3A_107 : vector<1x4096xi32> to vector<64x4096xi32>
    %eq3A_109 = arith.cmpi eq, %iota3A, %eq3A_108 : vector<64x4096xi32>
    %or3A_110 = arith.ori %or3A_93, %eq3A_109 : vector<64x4096xi1>
    %jit3A_111 = arith.constant 0xFF800000 : f32
    %broadcast_in_dim3A_112 = vector.broadcast %jit3A_111 : f32 to vector<64x4096xf32>
    %select_n3A_113 = arith.select %eq3A_109, %broadcast_in_dim3A_112, %select_n3A_96 : vector<64x4096xi1>, vector<64x4096xf32>
    %reduce_max3A_114 = arith.constant dense<0xFF800000> : vector<4096xf32>
    %reduce_max3A_115 = vector.multi_reduction <maximumf>, %select_n3A_113, %reduce_max3A_114 [0] : vector<64x4096xf32> to vector<4096xf32>
    %broadcast_in_dim3A_116 = vector.shape_cast %reduce_max3A_115 : vector<4096xf32> to vector<1x4096xf32>
    %eq3A_117 = vector.broadcast %broadcast_in_dim3A_116 : vector<1x4096xf32> to vector<64x4096xf32>
    %eq3A_118 = arith.cmpf oeq, %select_n3A_113, %eq3A_117 : vector<64x4096xf32>
    %jit3A_119 = arith.constant 64 : i32
    %broadcast_in_dim3A_120 = vector.broadcast %jit3A_119 : i32 to vector<64x4096xi32>
    %select_n3A_121 = arith.select %eq3A_118, %iota3A, %broadcast_in_dim3A_120 : vector<64x4096xi1>, vector<64x4096xi32>
    %reduce_min3A_122 = arith.constant dense<2147483647> : vector<4096xi32>
    %reduce_min3A_123 = vector.multi_reduction <minsi>, %select_n3A_121, %reduce_min3A_122 [0] : vector<64x4096xi32> to vector<4096xi32>
    %broadcast_in_dim3A_124 = vector.shape_cast %reduce_min3A_123 : vector<4096xi32> to vector<1x4096xi32>
    %eq3A_125 = vector.broadcast %broadcast_in_dim3A_124 : vector<1x4096xi32> to vector<64x4096xi32>
    %eq3A_126 = arith.cmpi eq, %iota3A, %eq3A_125 : vector<64x4096xi32>
    %or3A_127 = arith.ori %or3A_110, %eq3A_126 : vector<64x4096xi1>
    %jit3A_128 = arith.constant 0xFF800000 : f32
    %broadcast_in_dim3A_129 = vector.broadcast %jit3A_128 : f32 to vector<64x4096xf32>
    %select_n3A_130 = arith.select %eq3A_126, %broadcast_in_dim3A_129, %select_n3A_113 : vector<64x4096xi1>, vector<64x4096xf32>
    %reduce_max3A_131 = arith.constant dense<0xFF800000> : vector<4096xf32>
    %reduce_max3A_132 = vector.multi_reduction <maximumf>, %select_n3A_130, %reduce_max3A_131 [0] : vector<64x4096xf32> to vector<4096xf32>
    %broadcast_in_dim3A_133 = vector.shape_cast %reduce_max3A_132 : vector<4096xf32> to vector<1x4096xf32>
    %eq3A_134 = vector.broadcast %broadcast_in_dim3A_133 : vector<1x4096xf32> to vector<64x4096xf32>
    %eq3A_135 = arith.cmpf oeq, %select_n3A_130, %eq3A_134 : vector<64x4096xf32>
    %jit3A_136 = arith.constant 64 : i32
    %broadcast_in_dim3A_137 = vector.broadcast %jit3A_136 : i32 to vector<64x4096xi32>
    %select_n3A_138 = arith.select %eq3A_135, %iota3A, %broadcast_in_dim3A_137 : vector<64x4096xi1>, vector<64x4096xi32>
    %reduce_min3A_139 = arith.constant dense<2147483647> : vector<4096xi32>
    %reduce_min3A_140 = vector.multi_reduction <minsi>, %select_n3A_138, %reduce_min3A_139 [0] : vector<64x4096xi32> to vector<4096xi32>
    %broadcast_in_dim3A_141 = vector.shape_cast %reduce_min3A_140 : vector<4096xi32> to vector<1x4096xi32>
    %eq3A_142 = vector.broadcast %broadcast_in_dim3A_141 : vector<1x4096xi32> to vector<64x4096xi32>
    %eq3A_143 = arith.cmpi eq, %iota3A, %eq3A_142 : vector<64x4096xi32>
    %or3A_144 = arith.ori %or3A_127, %eq3A_143 : vector<64x4096xi1>
    %sub3A = vector.broadcast %broadcast_in_dim3A_17 : vector<1x4096xf32> to vector<64x4096xf32>
    %sub3A_145 = arith.subf %dot_general3A_15, %sub3A : vector<64x4096xf32>
    %exp3A = math.exp %sub3A_145 : vector<64x4096xf32>
    %jit3A_146 = arith.constant 0.000000e+00 : f32
    %broadcast_in_dim3A_147 = vector.broadcast %jit3A_146 : f32 to vector<64x4096xf32>
    %select_n3A_148 = arith.select %or3A_144, %exp3A, %broadcast_in_dim3A_147 : vector<64x4096xi1>, vector<64x4096xf32>
    %reduce_sum3A_149 = arith.constant dense<0.000000e+00> : vector<4096xf32>
    %reduce_sum3A_150 = vector.multi_reduction <add>, %select_n3A_148, %reduce_sum3A_149 [0] : vector<64x4096xf32> to vector<4096xf32>
    %broadcast_in_dim3A_151 = vector.shape_cast %reduce_sum3A_150 : vector<4096xf32> to vector<1x4096xf32>
    %get3A_152 = arith.constant 0 : index
    %get3A_153 = arith.constant 0 : index
    %get3A_154 = vector.load %arg4[%get3A_152, %get3A_153] : memref<64x1xf32, #tpu.memory_space<vmem>>, vector<64x1xf32>
    %mul3A_155 = vector.broadcast %get3A_154 : vector<64x1xf32> to vector<64x4096xf32>
    %mul3A_156 = arith.mulf %select_n3A_148, %mul3A_155 : vector<64x4096xf32>
    %reduce_sum3A_157 = arith.constant dense<0.000000e+00> : vector<4096xf32>
    %reduce_sum3A_158 = vector.multi_reduction <add>, %mul3A_156, %reduce_sum3A_157 [0] : vector<64x4096xf32> to vector<4096xf32>
    %broadcast_in_dim3A_159 = vector.shape_cast %reduce_sum3A_158 : vector<4096xf32> to vector<1x4096xf32>
    %get3A_160 = arith.constant 0 : index
    %get3A_161 = arith.constant 0 : index
    %get3A_162 = vector.load %arg5[%get3A_160, %get3A_161] : memref<64x1xf32, #tpu.memory_space<vmem>>, vector<64x1xf32>
    %mul3A_163 = vector.broadcast %get3A_162 : vector<64x1xf32> to vector<64x4096xf32>
    %mul3A_164 = arith.mulf %select_n3A_148, %mul3A_163 : vector<64x4096xf32>
    %reduce_sum3A_165 = arith.constant dense<0.000000e+00> : vector<4096xf32>
    %reduce_sum3A_166 = vector.multi_reduction <add>, %mul3A_164, %reduce_sum3A_165 [0] : vector<64x4096xf32> to vector<4096xf32>
    %broadcast_in_dim3A_167 = vector.shape_cast %reduce_sum3A_166 : vector<4096xf32> to vector<1x4096xf32>
    %mul3A_168 = arith.mulf %broadcast_in_dim3A, %broadcast_in_dim3A_159 : vector<1x4096xf32>
    %add3A_169 = arith.addf %mul3A_168, %broadcast_in_dim3A_167 : vector<1x4096xf32>
    %div3A = arith.divf %add3A_169, %broadcast_in_dim3A_151 : vector<1x4096xf32>
    %get3A_170 = arith.constant 0 : index
    %get3A_171 = arith.constant 0 : index
    %get3A_172 = vector.load %arg7[%get3A_170, %get3A_171] : memref<1x1xf32, #tpu.memory_space<vmem>>, vector<1x1xf32>
    %get3A_173 = vector.extract %get3A_172[0, 0] : f32 from vector<1x1xf32>
    %mul3A_174 = vector.broadcast %get3A_173 : f32 to vector<1x4096xf32>
    %mul3A_175 = arith.mulf %mul3A_174, %div3A : vector<1x4096xf32>
    %get3A_176 = arith.constant 0 : index
    %get3A_177 = arith.constant 0 : index
    %get3A_178 = vector.load %arg8[%get3A_176, %get3A_177] : memref<1x1xf32, #tpu.memory_space<vmem>>, vector<1x1xf32>
    %get3A_179 = vector.extract %get3A_178[0, 0] : f32 from vector<1x1xf32>
    %add3A_180 = vector.broadcast %get3A_179 : f32 to vector<1x4096xf32>
    %add3A_181 = arith.addf %mul3A_175, %add3A_180 : vector<1x4096xf32>
    %swap3A = arith.constant 0 : index
    %swap3A_182 = arith.constant 0 : index
    %swap3A_183 = vector.load %arg9[%swap3A, %swap3A_182] : memref<1x4096xf32, #tpu.memory_space<vmem>>, vector<1x4096xf32>
    tpu.vector_store %arg9[%swap3A, %swap3A_182], %add3A_181 {strides = array<i32>} : memref<1x4096xf32, #tpu.memory_space<vmem>>, vector<1x4096xf32>,
    return
  }
  func.func @transform_0(%arg0: i32) -> (i32, i32) {
    %c0_i32 = arith.constant 0 : i32
    %c0_i32_0 = arith.constant 0 : i32
    %c0_i32_1 = arith.constant 0 : i32
    return %c0_i32, %c0_i32_0 : i32, i32
  }
  func.func @transform_1(%arg0: i32) -> (i32, i32) {
    %c0_i32 = arith.constant 0 : i32
    %c0_i32_0 = arith.constant 0 : i32
    %c0_i32_1 = arith.constant 0 : i32
    return %c0_i32, %c0_i32_0 : i32, i32
  }
  func.func @transform_2(%arg0: i32) -> (i32, i32) {
    %c0_i32 = arith.constant 0 : i32
    %c0_i32_0 = arith.constant 0 : i32
    %c0_i32_1 = arith.constant 0 : i32
    return %c0_i32, %c0_i32_0 : i32, i32
  }
  func.func @transform_3(%arg0: i32) -> (i32, i32) {
    %c0_i32 = arith.constant 0 : i32
    %c0_i32_0 = arith.constant 0 : i32
    %c0_i32_1 = arith.constant 0 : i32
    return %c0_i32, %c0_i32_0 : i32, i32
  }
  func.func @transform_4(%arg0: i32) -> (i32, i32) {
    %c0_i32 = arith.constant 0 : i32
    %c0_i32_0 = arith.constant 0 : i32
    %c0_i32_1 = arith.constant 0 : i32
    return %c0_i32, %c0_i32_0 : i32, i32
  }
  func.func @transform_5(%arg0: i32) -> (i32, i32) {
    %c0_i32 = arith.constant 0 : i32
    %c0_i32_0 = arith.constant 0 : i32
    %c0_i32_1 = arith.constant 0 : i32
    return %c0_i32, %c0_i32_0 : i32, i32
  }
  func.func @transform_6(%arg0: i32) -> (i32, i32) {
    %c0_i32 = arith.constant 0 : i32
    %c0_i32_0 = arith.constant 0 : i32
    %c0_i32_1 = arith.constant 0 : i32
    return %c0_i32, %c0_i32_0 : i32, i32
  }
  func.func @transform_7(%arg0: i32) -> (i32, i32) {
    %c0_i32 = arith.constant 0 : i32
    %c0_i32_0 = arith.constant 0 : i32
    %c0_i32_1 = arith.constant 0 : i32
    return %c0_i32, %c0_i32_0 : i32, i32
  }
  func.func @transform_8(%arg0: i32) -> (i32, i32) {
    %c0_i32 = arith.constant 0 : i32
    %c0_i32_0 = arith.constant 0 : i32
    %c0_i32_1 = arith.constant 0 : i32
    return %c0_i32, %c0_i32_0 : i32, i32
  }
}

</mosaic_0001>

<sc_bundles>
// kernel: gather_offload_async_start
scs
__scs_entry_jumppad:
0x0: {  	(pc) =	sbr.rel $0x88, $3  }
0x1: {  	(tag) =	ssettag $0x0;
	lr =	simm.s32 $0x1  }
0x2: {  	[smem:$0x3F99] =	sst lr;
	_ =	strace $0xD0000000  }
0x3: {  	_ = 	snop  }
0x4: {  	_ = 	snop  }
0x5: {  	_ = 	snop  }
0x6: {  	_ = 	snop  }
0x7: {  	_ = 	snop  }
__scs_overlays_trampoline_lowered:
0x8: {  	[smem:$0x3FA8] =	sst s0  }
0x9: {  	[smem:$0x3FA9] =	sst s1  }
0xa: {  	[smem:$0x3FAA] =	sst s2  }
0xb: {  	[smem:$0x3FAB] =	sst s3  }
0xc: {  	[smem:$0x3FAC] =	sst s4  }
0xd: {  	[smem:$0x3FAD] =	sst s5  }
0xe: {  	[smem:$0x3FAE] =	sst s6  }
0xf: {  	[smem:$0x3FAF] =	sst s7  }
0x10: {  	[smem:$0x3FB0] =	sst s8  }
0x11: {  	[smem:$0x3FB1] =	sst s9;
	s0 =	simm.s32 @!p0 $0x0  }
0x12: {  	s1 =	sld [smem:$0x3F97];
	s0 =	simm.s32 @p0 $0x1  }
0x13: {  	[smem:$0x3FB2] =	sst s0;
	s0 =	simm.s32 @!p1 $0x0  }
0x14: {  	s2 =	sld [smem:$0x3F96];
	s0 =	simm.s32 @p1 $0x1  }
0x15: {  	[smem:$0x3FB3] =	sst s0;
	s0 =	simm.s32 @!p2 $0x0  }
0x16: {  	s3 =	sld [smem:$0x3FDB];
	s0 =	simm.s32 @p2 $0x1  }
0x17: {  	s4 =	simm.s32 $0x1BF5;
	[smem:$0x3FB5] =	sst s0  }
0x18: {  	s0 =	sld [smem:$0x3F98];
	_ =	swait.ge [sflag:s4], $0x0  }
0x19: {  	s7 =	sld [smem:$0x3F99]  }
0x1a: {  	s8 =	sadd.s32 $0xFFFFE003, lr  }
0x1b: {  	s9 =	sadd.s32 $0xFFFFFEF7, lr;
	s5 =	simm.s32 $0xFFFFFFFF;
	p2 =	slt.u32 s8, $0xFFFFF086  }
0x1c: {  	p1 =	slt.u32 s9, $0xF7A;
	s5 =	simm.s32 @!p2 $0x0  }
0x1d: {  	s5 =	simm.s32 @p1 $0x1;
	p0 =	seq.s32 s7, s2  }
0x1e: {  	s7 =	smul.u32 @!p0 $0xF7A, s2;
	p2 =	seq.s32 @!p0 s5, $0x0  }
0x1f: {  	s9 =	smul.u32 $0xF7A, s1;
	s8 =	simm.s32 @!p0 $0x1BF5;
	p2 =	por !p2, p0  }
0x20: {  	[sflag:s8] =	ssyncset.s32 @!p0 $0xFFFFF086;
	s6 =	sadd.s32 @!p0 s3, s7;
	s7 =	simm.s32 @!p0 $0x108  }
0x21: {  	s3 =	sadd.s32 s3, s9;
	s6 =	sadd.s32 @!p0 $0x88, s6;
	s7 =	simm.s32 @p2 $0x1082  }
0x22: {  	[simem:s7], [sflag:s8] =	dma.local @!p0 [hbm:s6], $0xF7A  }
0x23: {  	s9 =	sor.u32 $0xD0000000, s2;
	s6 =	simm.s32 $0x108;
	_ =	swait.ge @!p0 [sflag:s8], $0x0  }
0x24: {  	s3 =	sadd.s32 $0x88, s3;
	s6 =	simm.s32 @!p1 $0x1082;
	[sflag:s4] =	ssyncset.s32 $0xFFFFF086  }
0x25: {  	[simem:s6], [sflag:s4] =	dma.local [hbm:s3], $0xF7A  }
0x26: {  	[smem:$0x3F99] =	sst s1;
	(tag) =	ssettag s2;
	_ =	strace s9  }
0x27: {  	s1 =	sld [smem:$0x3FA9]  }
0x28: {  	s2 =	sld [smem:$0x3FAA]  }
0x29: {  	s4 =	sld [smem:$0x3FAC]  }
0x2a: {  	p0 =	seq.s32 s5, $0x0;
	s5 =	sld [smem:$0x3FAD]  }
0x2b: {  	s6 =	sld [smem:$0x3FAE]  }
0x2c: {  	s7 =	sld [smem:$0x3FAF]  }
0x2d: {  	s3 =	simm.s32 $0x108;
	s8 =	sld [smem:$0x3FB0]  }
0x2e: {  	s3 =	simm.s32 @!p0 $0x1082;
	s9 =	sld [smem:$0x3FB1]  }
0x2f: {  	lr =	sadd.s32 s0, s3;
	s0 =	sld [smem:$0x3FA8]  }
0x30: {  	s3 =	sld [smem:$0x3FAB]  }
0x31: {  	[smem:$0x3FB4] =	sst s10  }
0x32: {  	s10 =	sld [smem:$0x3FB2];
	_ =	sdelay $0x3  }
0x33: {  	p0 =	seq.s32 s10, $0x1;
	s10 =	sld [smem:$0x3FB4];
	_ =	sdelay $0x3  }
0x34: {  	[smem:$0x3FB4] =	sst s10  }
0x35: {  	s10 =	sld [smem:$0x3FB3];
	_ =	sdelay $0x3  }
0x36: {  	p1 =	seq.s32 s10, $0x1;
	s10 =	sld [smem:$0x3FB4];
	_ =	sdelay $0x3  }
0x37: {  	[smem:$0x3FB4] =	sst s10  }
0x38: {  	s10 =	sld [smem:$0x3FB5]  }
0x39: {  	_ = 	snop;
	(pc) =	sbr.ind lr, $3  }
0x3a: {  	_ = 	snop  }
0x3b: {  	_ = 	snop  }
0x3c: {  	p2 =	seq.s32 s10, $0x1;
	s10 =	sld [smem:$0x3FB4]  }
0x3d: {  	_ =	shalt  }
0x3e: {  	_ =	shalt  }
0x3f: {  	_ =	shalt  }
0x40: {  	_ =	shalt  }
0x41: {  	_ =	shalt  }
0x42: {  	_ =	shalt  }
0x43: {  	_ =	shalt  }
0x44: {  	_ =	shalt  }
0x45: {  	_ =	shalt  }
0x46: {  	_ =	shalt  }
0x47: {  	_ =	shalt  }
0x48: {  	_ =	shalt  }
0x49: {  	_ =	shalt  }
0x4a: {  	_ =	shalt  }
0x4b: {  	_ =	shalt  }
0x4c: {  	_ =	shalt  }
0x4d: {  	_ =	shalt  }
0x4e: {  	_ =	shalt  }
0x4f: {  	_ =	shalt  }
0x50: {  	_ =	shalt  }
0x51: {  	_ =	shalt  }
0x52: {  	_ =	shalt  }
0x53: {  	_ =	shalt  }
0x54: {  	_ =	shalt  }
0x55: {  	_ =	shalt  }
0x56: {  	_ =	shalt  }
0x57: {  	_ =	shalt  }
0x58: {  	_ =	shalt  }
0x59: {  	_ =	shalt  }
0x5a: {  	_ =	shalt  }
0x5b: {  	_ =	shalt  }
0x5c: {  	_ =	shalt  }
0x5d: {  	_ =	shalt  }
0x5e: {  	_ =	shalt  }
0x5f: {  	_ =	shalt  }
0x60: {  	_ =	shalt  }
0x61: {  	_ =	shalt  }
0x62: {  	_ =	shalt  }
0x63: {  	_ =	shalt  }
0x64: {  	_ =	shalt  }
0x65: {  	_ =	shalt  }
0x66: {  	_ =	shalt  }
0x67: {  	_ =	shalt  }
0x68: {  	_ =	shalt  }
0x69: {  	_ =	shalt  }
0x6a: {  	_ =	shalt  }
0x6b: {  	_ =	shalt  }
0x6c: {  	_ =	shalt  }
0x6d: {  	_ =	shalt  }
0x6e: {  	_ =	shalt  }
0x6f: {  	_ =	shalt  }
0x70: {  	_ =	shalt  }
0x71: {  	_ =	shalt  }
0x72: {  	_ =	shalt  }
0x73: {  	_ =	shalt  }
0x74: {  	_ =	shalt  }
0x75: {  	_ =	shalt  }
0x76: {  	_ =	shalt  }
0x77: {  	_ =	shalt  }
0x78: {  	_ =	shalt  }
0x79: {  	_ =	shalt  }
0x7a: {  	_ =	shalt  }
0x7b: {  	_ =	shalt  }
0x7c: {  	_ =	shalt  }
0x7d: {  	_ =	shalt  }
0x7e: {  	_ =	shalt  }
0x7f: {  	_ =	shalt  }
0x80: {  	_ =	shalt  }
0x81: {  	_ =	shalt  }
0x82: {  	_ =	shalt  }
0x83: {  	_ =	shalt  }
0x84: {  	_ =	shalt  }
0x85: {  	_ =	shalt  }
0x86: {  	_ =	shalt  }
0x87: {  	_ =	shalt  }
.Lfunc_end0:
.L_simem_size_0:
called_computation_lowered:
.L_overlay_start_0:
0x88: {  	s2 =	sld [smem:$0x3FD9]  }
0x89: {  	s3 =	sld [smem:$0x3FFE];
	_ =	sdelay $0x1  }
0x8a: {  	s1 =	srdreg.scid  }
0x8b: {  	s0 =	sand.u32 $0x1, s1  }
0x8c: {  	s17 =	sshll.u32 s0, $0xA;
	s2 =	sadd.s32 s3, s2  }
0x8d: {  	s2 =	sadd.s32 s2, s17  }
0x8e: {  	[smem:$0x3FC0] =	sst s2  }
0x8f: {  	_ = 	snop  }
0x90: {  	s2 =	sld [smem:$0x3FC9];
	(tm) =	ssettm $0x1  }
0x91: {  	s18 =	sld [smem:$0x3FFB];
	_ =	sdelay $0x3  }
0x92: {  	_ =	strace s18  }
0x93: {  	s3 =	sld [smem:$0x3FFC];
	_ =	sdelay $0x3  }
0x94: {  	_ =	strace s3  }
0x95: {  	s3 =	sld [smem:$0x3FFD];
	_ =	sdelay $0x3  }
0x96: {  	_ =	strace s3  }
0x97: {  	_ =	strace $0x8FFFFFFF  }
0x98: {  	s19 =	sld [smem:$0x3FDB];
	_ =	sdelay $0x1  }
0x99: {  	s4 =	simm.s32 $_scs_section_size  }
0x9a: {  	s5 =	simm.s32 $_size__tile_overlayer_lowered;
	s6 =	simm.s32 $_tile_overlayer_lowered  }
0x9b: {  	s22 =	simm.s32 $0x1BFF;
	s21 =	sshll.u32 s6, $0x1;
	s3 =	sadd.s32 s4, s19  }
0x9c: {  	s7 =	simm.s32 $0x0;
	s20 =	sshll.u32 s5, $0x1;
	s5 =	sadd.s32 s21, s3  }
0x9d: {  	[timem:s7], [sflag:s22] =	dma.local [hbm:s5], s20  }
0x9e: {  	_ =	swait.ge [sflag:s22], s20  }
0x9f: {  	s4 =	ssub.s32 $0x0, s20;
	[sflag:s22] =	ssyncset.done $0x0  }
0xa0: {  	[sflag:s22] =	ssyncadd.s32 s4;
	_ =	sdelay $0x1  }
0xa1: {  	s23 =	simm.s32 $0x1B8B  }
0xa2: {  	_ =	swait.ge [sflag:s23], $0x1  }
0xa3: {  	[sflag:s23] =	ssyncset.done $0x0  }
0xa4: {  	s25 =	simm.s32 $0x1B8E;
	s24 =	sld [smem:$0x3FFE];
	[sflag:s23] =	ssyncadd.s32 $0xFFFFFFFF  }
0xa5: {  	s26 =	simm.s32 $execute0_lowered;
	[smem:$0x3FD2] =	sst s25  }
0xa6: {  	s5 =	sshll.u32 s26, $0x1;
	_ =	strace $0x80000046;
	[dreg:$0x1] =	wrdreg $0xFFFFFFFF  }
0xa7: {  	s28 =	simm.s32 $_size_execute0_lowered;
	s3 =	sadd.s32 s3, s5;
	[dreg:$0x0] =	wrdreg $0x0  }
0xa8: {  	s5 =	sshll.u32 s28, $0x1;
	[dreg:$0x2] =	wrdreg s3  }
0xa9: {  	[dreg:$0x3] =	wrdreg s5  }
0xaa: {  	[dreg:$0x4] =	wrdreg $0xC0  }
0xab: {  	_ =	task [dreg:s7], $0x5FFFF  }
0xac: {  	[dreg:$0x1] =	wrdreg $0xFFFFFFFF  }
0xad: {  	[dreg:$0x0] =	wrdreg $0x60  }
0xae: {  	[dreg:$0x2] =	wrdreg s2  }
0xaf: {  	[dreg:$0x3] =	wrdreg s24  }
0xb0: {  	[dreg:$0x4] =	wrdreg $0x9  }
0xb1: {  	_ =	task.clear_ibuf [dreg:s7], $0x5FFFF;
	_ =	strace $0x90000046  }
0xb2: {  	s29 =	simm.s32 $0x9;
	_ =	strace $0x80000048  }
0xb3: {  	_ =	swait.ge [sflag:s29], $0x1  }
0xb4: {  	[sflag:s29] =	ssyncadd.s32 $0xFFFFFFFF  }
0xb5: {  	_ =	strace $0x90000048  }
0xb6: {  	_ =	sfence  }
0xb7: {  	s30 =	sld [smem:$0x0];
	_ =	sdelay $0x2  }
0xb8: {  	s31 =	sshll.u32 s1, $0xD;
	s1 =	sshrl.u32 s1, $0x2  }
0xb9: {  	s3 =	sand.u32 $0x4000, s31;
	s1 =	sadd.s32 s1, s30  }
0xba: {  	s0 =	sor.u32 s3, s0;
	s1 =	sshll.u32 s1, $0x11  }
0xbb: {  	s0 =	sor.u32 s1, s0  }
0xbc: {  	s0 =	sadd.s32 $0x8F2B, s0  }
0xbd: {  	[sflag:s0] =	ssyncadd.remote.s32 $0x1  }
0xbe: {  	_ =	sfence.sel $0xFFFF  }
0xbf: {  	[dreg:$0x0] =	wrdreg $0xFFFFFFFF;
	(pc) =	sbr.abs _section_cstart, $3  }
0xc0: {  	[dreg:$0x1] =	wrdreg $0xFFFFFFFF  }
0xc1: {  	_ =	task.clear_ibuf [dreg:s7], $0x2FFFF;
	_ =	strace $0x9FFFFFFF  }
0xc2: {  	(tm) =	ssettm $0x7FFFFFFF  }
0xc3: {  	_ =	shalt  }
tec
execute0_lowered:
.L_overlay_start_1:
0x0: {  	(tag) =	ssettag $0x1  }
0x1: {  	s1 =	srdreg.scid;
	s2 =	rddreg [dreg:$0x0]  }
0x2: {  	s0 =	stileid.u32;
	s5 =	rddreg [dreg:$0x1];
	s6 =	simm.s32 $0x1  }
0x3: {  	s9 =	simm.s32 $0x1;
	s10 =	simm.s32 $0x3;
	s1 =	sshll.u32 s1, $0x6  }
0x4: {  	s13 =	simm.s32 $0x0;
	s3 =	sshll.u32 s0, $0x7;
	s4 =	sand.u32 $0x40, s1  }
0x5: {  	s12 =	simm.s32 $0x0;
	s1 =	rddreg [dreg:$0x2];
	s3 =	sor.u32 s3, s4  }
0x6: {  	_ =	strace $0x80000047;
	s4 =	sadd.s32 $0x600, s5;
	s8 =	ssub.s32 $0x1000, s3  }
.Ltmp0:
0x7: {  	s5 =	sadd.s32 $0x800, s5;
	s7 =	sand.u32 $0x7C0, s8;
	(pc) =	sbr.rel .LBB2_1-.Ltmp0, $4  }
0x8: {  	[sflag:s6] =	ssyncpa.u1 $0x0;
	s11 =	smov.u32 s3;
	p0 =	sne.s32 s7, $0x0  }
0x9: {  	s8 =	sshrl.u32 s8, $0xB;
	s7 =	simm.s32 $0x2;
	s9 =	simm.s32 @!p0 $0x0  }
0xa: {  	[sflag:s7] =	ssyncpa.u1 $0x0;
	p0 =	por $0x0, $0x0;
	s8 =	sadd.s32 s9, s8  }
0xb: {  	vm0 =	vmmov $0xffff;
	[sflag:s10] =	ssyncpa.u1 $0x0;
	s10 =	simm.s32 $0x0;
	s9 =	sadd.s32 $0x1, s8  }
.LBB2_4:
0xc: {  	v2 =	vnsel vm1, $0x0, v2  }
0xd: {  	vm1 =	vgt.s32 v0, $0x0;
	v2 =	vmin.u32 v2, $0x7FFF  }
0xe: {  	v0 =	vnsel vm1, $0x0, v0  }
0xf: {  	v0 =	vmin.u32 v0, $0x7FFF  }
0x10: {  	[tilespmem:s15], [sflag:$0x1] =	stream.indirect_vreg.gather [hbm4b:s2+s10], $0x1, v1, vm0, $0x4038;
	[tilespmem:$0x100] =	vst v63  }
0x11: {  	(ifvalue) =	ssetifvalue $0x7FFFFFFF  }
0x12: {  	[tilespmem:s16], [sflag:$0x1] =	stream.indirect_vreg.gather [hbm4b:s2+s10], $0x1, v2, vm0, $0x4038;
	[tilespmem:$0x100] =	vst v63  }
0x13: {  	s29 =	sadd.s32 $0x10, s16;
	(ifvalue) =	ssetifvalue $0x7FFFFFFF  }
0x14: {  	[tilespmem:s29], [sflag:$0x1] =	stream.indirect_vreg.gather [hbm4b:s2+s10], $0x1, v0, vm0, $0x4038;
	[tilespmem:$0x100] =	vst v63  }
0x15: {  	_ =	swait.ge [sflag:s6], $0x40  }
0x16: {  	s30 =	sshrl.u32 s13, $0x3;
	[sflag:s6] =	ssyncset.done $0x0  }
0x17: {  	s31 =	sand.u32 $0x7, s13;
	s15 =	sadd.s32 s5, s30;
	[sflag:s6] =	ssyncadd.s32 $0xFFFFFFC0  }
0x18: {  	[hbm4b:s15+s31] =	stream.linear.scatter [tilespmem:s14], [sflag:$0x3], $0x40, $0x38;
	[tilespmem:$0x100] =	vst v63  }
.LBB2_5:
0x19: {  	s15 =	sadd.s32 $0x800, s11  }
0x1a: {  	p2 =	sgt.s32 s15, $0xFFF  }
0x1b: {  	s15 =	smov.u32 @p2 s3;
	p2 =	sne.s32 s12, s9  }
.Ltmp1:
0x1c: {  	p1 =	slt.u32 s12, $0x2;
	(pc) =	sbr.rel @!p2 .LBB2_6-.Ltmp1, $4  }
0x1d: {  	s14 =	simm.s32 @!p1 $0x3  }
0x1e: {  	s16 =	sadd.s32 $0x1, s12;
	_ =	swait.ge @!p1 [sflag:s14], $0x40  }
0x1f: {  	s13 =	smov.u32 s11;
	p0 =	por !p0, !p0;
	[sflag:s14] =	ssyncset.done @!p1 $0x0  }
0x20: {  	s12 =	smov.u32 s16;
	s11 =	smov.u32 s15;
	[sflag:s14] =	ssyncadd.s32 @!p1 $0xFFFFFFC0  }
.LBB2_1:
0x21: {  	p1 =	sge.u32 s12, s8  }
0x22: {  	s14 =	sxor.u32 @!p1 $0xFFFFFFFF, s12  }
0x23: {  	s31 =	sadd.s32 $0xFFFFFFFF, s12;
	s15 =	sshrl.u32 @!p1 s11, $0x3;
	s14 =	sshll.u32 @!p1 s14, $0x6  }
0x24: {  	s16 =	sand.u32 @!p1 $0x7, s11;
	s15 =	sadd.s32 @!p1 s4, s15;
	s14 =	sand.u32 @!p1 $0x40, s14  }
0x25: {  	[tilespmem:s14], [sflag:$0x2] =	stream.linear.gather @!p1 [hbm4b:s15+s16], $0x40, $0x38;
	[tilespmem:$0x100] =	vst v63  }
0x26: {  	p1 =	sge.u32 s31, s8  }
.Ltmp2:
0x27: {  	_ = 	snop;
	(pc) =	sbr.rel @p1 .LBB2_5-.Ltmp2, $1  }
0x28: {  	_ =	sdelay $0x3  }
0x29: {  	s14 =	simm.s32 $0x1  }
0x2a: {  	_ =	swait.ge [sflag:s7], $0x40;
	s14 =	simm.s32 @!p0 $0x0  }
0x2b: {  	[sflag:s7] =	ssyncset.done $0x0;
	s14 =	sshll.u32 s14, $0x6  }
0x2c: {  	[sflag:s7] =	ssyncadd.s32 $0xFFFFFFC0;
	(ifvalue) =	ssetifvalue $0x7FFFFFFF;
	v0 =	vld.msk [tilespmem:s14+$0x0 ss:$0x1], $0xffff;
	_ =	sdelay $0x4  }
0x2d: {  	s15 =	sadd.s32 $0x10, s14;
	vm1 =	vgt.s32 v0, $0x0  }
0x2e: {  	v2 =	vld.msk [tilespmem:s15+$0x0 ss:$0x1], $0xffff;
	v1 =	vnsel vm1, $0x0, v0  }
0x2f: {  	v1 =	vmin.u32 v1, $0x7FFF;
	_ =	sdelay $0x1  }
0x30: {  	s16 =	sshll.u32 s12, $0x6;
	s18 =	simm.s32 $0x20  }
0x31: {  	s16 =	sand.u32 $0x40, s16;
	s17 =	sadd.s32 $0x10, s15;
	s15 =	sor.u32 $0x80, s14  }
0x32: {  	s14 =	sor.u32 $0x80, s16;
	s16 =	sadd.s32 $0x10, s15;
	v0 =	vld.msk [tilespmem:s17+$0x0 ss:$0x1], $0xffff;
	vm1 =	vgt.s32 v2, $0x0;
	(ifvalue) =	ssetifvalue $0x7FFFFFFF  }
.LBB2_3:
0x33: {  	[tilespmem:s15], [sflag:$0x1] =	stream.indirect_vreg.gather [hbm4b:s2+s10], $0x1, v1, vm0, $0x4038;
	[tilespmem:$0x100] =	vst v63  }
0x34: {  	s18 =	sadd.s32 $0x10, s18  }
0x35: {  	v2 =	vnsel vm1, $0x0, v2;
	p1 =	slt.u32 s18, $0x30  }
.Ltmp3:
0x36: {  	s15 =	smov.u32 s16;
	v1 =	vmin.u32 v2, $0x7FFF;
	(pc) =	sbr.rel @p1 .LBB2_3-.Ltmp3, $3  }
0x37: {  	_ =	sdelay $0x1  }
0x38: {  	s17 =	sadd.s32 $0x10, s17  }
0x39: {  	vm1 =	vgt.s32 v0, $0x0;
	s16 =	sadd.s32 $0x10, s16;
	v2 =	vmov v0;
	(ifvalue) =	ssetifvalue $0x7FFFFFFF;
	v0 =	vld.msk [tilespmem:s17+$0x0 ss:$0x1], $0xffff  }
.Ltmp4:
0x3a: {  	_ = 	snop;
	(pc) =	sbr.rel .LBB2_4-.Ltmp4, $1  }
0x3b: {  	_ =	sdelay $0x3  }
.LBB2_6:
0x3c: {  	_ =	sfence.sel $0x180000  }
0x3d: {  	s2 =	simm.s32 $0x2;
	[bflag:$0x0] =	sbarrier.arrive $0xFFFF  }
0x3e: {  	s30 =	simm.s32 $0x3;
	[sflag:s2] =	ssyncpa.u1 $0x1  }
0x3f: {  	s31 =	simm.s32 $0x1;
	[sflag:s30] =	ssyncpa.u1 $0x1  }
0x40: {  	[sflag:s31] =	ssyncpa.u1 $0x1  }
0x41: {  	p0 =	sne.s32 s0, $0x0;
	_ =	strace $0x90000047  }
0x42: {  	s0 =	sadd.s32 @!p0 $0x100000, s1;
	[bflag:$0x2] =	sbarrier.arrive $0xFFFF  }
0x43: {  	[sflag:s0] =	ssyncadd.tile.s32 @!p0 $0x1;
	_ =	shalt  }
.Lfunc_end2:
_tile_overlayer_lowered:
.L_overlay_start_2:
0x44: {  	(tag) =	ssettag $0x2  }
0x45: {  	s0 =	rddreg [dreg:$0x0];
	s2 =	stileid.u32  }
0x46: {  	s1 =	rddreg [dreg:$0x1];
	p0 =	sne.s32 s2, $0x0  }
0x47: {  	s3 =	rddreg [dreg:$0x2];
	[bflag:$0x3] =	sbarrier.arrive $0xFFFF;
	s2 =	simm.s32 @!p0 $0x1C01  }
0x48: {  	[timem:s3], [sflag:s2] =	dma.local @!p0 [hbm:s0], s1  }
0x49: {  	s0 =	simm.s32 @!p0 $0x1  }
0x4a: {  	_ =	swait.ge @!p0 [sflag:s0], s1  }
0x4b: {  	s1 =	ssub.s32 @!p0 $0x0, s1;
	[sflag:s0] =	ssyncset.done @!p0 $0x0  }
0x4c: {  	[sflag:s0] =	ssyncadd.s32 @!p0 s1  }
0x4d: {  	[bflag:$0x3] =	sbarrier.arrive $0xFFFF  }
0x4e: {  	_ =	shalt  }

</sc_bundles>
